<compile_context>
chip_gen: v7x
topology: tpu7x:2x2x1
jax: 0.10.2.dev20260603
libtpu: 0.0.44.dev20260713+nightly
codegen_flags: <defaults>
</compile_context>

<pallas_src>
import functools

import jax
import jax.numpy as jnp
from jax import lax
from jax.experimental import pallas as pl
from jax.experimental.pallas import tpu as pltpu
from jax.experimental.pallas import tpu_sc as plsc

NUM_CORES = 2
NUM_SUBCORES = 16
NW = NUM_CORES * NUM_SUBCORES
CHUNK = 128


def _gather_body(n_chunks, n_id_hbm, memory_hbm, last_hbm,
                 mem_out_hbm, last_out_hbm,
                 idx_v, rows_v, last_v, *sems):
    sem_idx, sem_last, sem_store = sems[0], sems[1], sems[2]
    chunk_sems = sems[3:]
    wid = lax.axis_index("s") * NUM_CORES + lax.axis_index("c")
    b_per_w = n_chunks * CHUNK
    base = wid * b_per_w

    pltpu.async_copy(n_id_hbm.at[pl.ds(base, b_per_w)], idx_v, sem_idx).wait()

    for j in range(n_chunks):
        idx_j = idx_v.at[pl.ds(j * CHUNK, CHUNK)]
        pltpu.async_copy(
            memory_hbm.at[idx_j],
            rows_v.at[pl.ds(j * CHUNK, CHUNK), :], chunk_sems[j])
        pltpu.async_copy(
            last_hbm.at[idx_j],
            last_v.at[pl.ds(j * CHUNK, CHUNK)], sem_last)

    for j in range(n_chunks):
        pltpu.make_async_copy(
            memory_hbm.at[idx_v.at[pl.ds(j * CHUNK, CHUNK)]],
            rows_v.at[pl.ds(j * CHUNK, CHUNK), :], chunk_sems[j]).wait()
        pltpu.async_copy(
            rows_v.at[pl.ds(j * CHUNK, CHUNK), :],
            mem_out_hbm.at[pl.ds(base + j * CHUNK, CHUNK), :], sem_store)

    for j in range(n_chunks):
        pltpu.make_async_copy(
            last_hbm.at[idx_v.at[pl.ds(j * CHUNK, CHUNK)]],
            last_v.at[pl.ds(j * CHUNK, CHUNK)], sem_last).wait()
    pltpu.async_copy(last_v, last_out_hbm.at[pl.ds(base, b_per_w)], sem_store)

    for j in range(n_chunks):
        pltpu.make_async_copy(
            rows_v.at[pl.ds(j * CHUNK, CHUNK), :],
            mem_out_hbm.at[pl.ds(base + j * CHUNK, CHUNK), :],
            sem_store).wait()
    pltpu.make_async_copy(
        last_v, last_out_hbm.at[pl.ds(base, b_per_w)], sem_store).wait()


@jax.jit
def kernel(n_id, memory, last_update):
    B = n_id.shape[0]
    D = memory.shape[1]
    assert B % (NW * CHUNK) == 0
    n_chunks = B // (NW * CHUNK)
    b_per_w = n_chunks * CHUNK

    mesh = plsc.VectorSubcoreMesh(core_axis_name="c", subcore_axis_name="s")
    run = pl.kernel(
        functools.partial(_gather_body, n_chunks),
        out_type=(
            jax.ShapeDtypeStruct((B, D), memory.dtype),
            jax.ShapeDtypeStruct((B,), last_update.dtype),
        ),
        mesh=mesh,
        scratch_types=[
            pltpu.VMEM((b_per_w,), jnp.int32),
            pltpu.VMEM((b_per_w, D), jnp.float32),
            pltpu.VMEM((b_per_w,), jnp.int32),
            pltpu.SemaphoreType.DMA,
            pltpu.SemaphoreType.DMA,
            pltpu.SemaphoreType.DMA,
        ] + [pltpu.SemaphoreType.DMA] * n_chunks,
    )
    return run(n_id, memory, last_update)

# --- scband reference (transcript-rebuilt; emitter-appended) ---
"""Pipeline reference for scband-ctanmemory-37434934952570 (READ-ONLY COPY).

The authoritative reference and input builder live on the scoring server;
editing this copy changes nothing except your own understanding.
"""

import jax, jax.numpy as jnp
import numpy as np

NUM_NODES = 1000000
MEMORY_DIM = 128
BATCH = 16384
INIT_TIME = 0


def setup_inputs(seed: int = 0) -> dict:
    key = jax.random.key(seed)
    k1, k2 = jax.random.split(key, 2)
    # forward arg per input_specs: n_id int indices in [0, NUM_NODES)
    n_id = jax.random.randint(k1, (BATCH,), 0, NUM_NODES, dtype=jnp.int32)
    # learned/state buffers sized per init_kwargs. The torch buffer is zero-initialized,
    # but we materialize a non-trivial memory state (as after update_state calls) so the
    # gather is meaningful; last_update initialized to init_time like the torch buffer.
    memory = jax.random.normal(k2, (NUM_NODES, MEMORY_DIM), dtype=jnp.float32)
    last_update = jnp.ones((NUM_NODES,), dtype=jnp.int32) * INIT_TIME
    return {"n_id": n_id, "memory": memory, "last_update": last_update}


def reference(n_id, memory, last_update):
    # Faithful translation of CTANMemory.forward:
    #   return (self.memory[n_id], self.last_update[n_id])
    mem_out = jnp.take(memory, n_id, axis=0)
    last_out = jnp.take(last_update, n_id, axis=0)
    return (mem_out, last_out)

if __name__ == "__main__":
    import jax
    _d = setup_inputs()
    print(jax.jit(kernel)(*tuple(_d.values())))

</pallas_src>

<mosaic_0001>
#map = affine_map<(d0, d1) -> (0)>
#map1 = affine_map<(d0, d1) -> (0, 0)>
module attributes {stable_mosaic.version = 14 : i64} {
  func.func @_gather_body(%arg0: i32, %arg1: i32, %arg2: memref<16384xi32, #tpu.memory_space<hbm>>, %arg3: memref<1000000x128xf32, #tpu.memory_space<hbm>>, %arg4: memref<1000000xi32, #tpu.memory_space<hbm>>, %arg5: memref<16384x128xf32, #tpu.memory_space<hbm>>, %arg6: memref<16384xi32, #tpu.memory_space<hbm>>, %arg7: memref<512xi32, #tpu.memory_space<vmem>>, %arg8: memref<512x128xf32, #tpu.memory_space<vmem>>, %arg9: memref<512xi32, #tpu.memory_space<vmem>>, %arg10: memref<!tpu.dma_semaphore, #tpu.memory_space<semaphore_mem>>, %arg11: memref<!tpu.dma_semaphore, #tpu.memory_space<semaphore_mem>>, %arg12: memref<!tpu.dma_semaphore, #tpu.memory_space<semaphore_mem>>, %arg13: memref<!tpu.dma_semaphore, #tpu.memory_space<semaphore_mem>>, %arg14: memref<!tpu.dma_semaphore, #tpu.memory_space<semaphore_mem>>, %arg15: memref<!tpu.dma_semaphore, #tpu.memory_space<semaphore_mem>>, %arg16: memref<!tpu.dma_semaphore, #tpu.memory_space<semaphore_mem>>) attributes {dimension_semantics = [#tpu.dimension_semantics<core_parallel>, #tpu.dimension_semantics<subcore_parallel>], iteration_bounds = array<i64: 2, 16>, scalar_prefetch = 0 : i64, scratch_operands = 10 : i64, tpu.core_type = #tpu.core_type<sc_vector_subcore>, window_params = [{transform_indices = #map}, {transform_indices = #map1}, {transform_indices = #map}, {transform_indices = #map1}, {transform_indices = #map}]} {
    %mul3A = arith.constant 2 : i32
    %mul3A_0 = arith.muli %arg1, %mul3A : i32
    %add3A = arith.addi %mul3A_0, %arg0 : i32
    %mul3A_1 = arith.constant 512 : i32
    %mul3A_2 = arith.muli %add3A, %mul3A_1 : i32
    %dma_start3A = tpu.memref_slice %arg2[%mul3A_2] : memref<16384xi32, #tpu.memory_space<hbm>> -> memref<512xi32, #tpu.memory_space<hbm>>
    %dma_start3A_3 = tpu.memref_slice %arg2[%mul3A_2] : memref<16384xi32, #tpu.memory_space<hbm>> -> memref<512xi32, #tpu.memory_space<hbm>>
    tpu.enqueue_dma source(%dma_start3A_3 : memref<512xi32, #tpu.memory_space<hbm>>) target(%arg7 : memref<512xi32, #tpu.memory_space<vmem>>) target_semaphore(%arg10 : memref<!tpu.dma_semaphore, #tpu.memory_space<semaphore_mem>>)
    %dma_wait3A = tpu.memref_slice %arg2[%mul3A_2] : memref<16384xi32, #tpu.memory_space<hbm>> -> memref<512xi32, #tpu.memory_space<hbm>>
    %dma_wait3A_4 = tpu.memref_slice %arg2[%mul3A_2] : memref<16384xi32, #tpu.memory_space<hbm>> -> memref<512xi32, #tpu.memory_space<hbm>>
    tpu.wait_dma2 semaphore(%arg10 : memref<!tpu.dma_semaphore, #tpu.memory_space<semaphore_mem>>) src(%dma_wait3A_4 : memref<512xi32, #tpu.memory_space<hbm>>) dst(%arg7 : memref<512xi32, #tpu.memory_space<vmem>>)
    %dma_start3A_5 = arith.constant 0 : i32
    %dma_start3A_6 = arith.constant 0 : i32
    %dma_start3A_7 = tpu.memref_slice %arg8[%dma_start3A_5, %dma_start3A_6] : memref<512x128xf32, #tpu.memory_space<vmem>> -> memref<128x128xf32, #tpu.memory_space<vmem>>
    %dma_start3A_8 = arith.constant 0 : i32
    %dma_start3A_9 = tpu.memref_slice %arg7[%dma_start3A_8] : memref<512xi32, #tpu.memory_space<vmem>> -> memref<128xi32, #tpu.memory_space<vmem>>
    %dma_start3A_10 = arith.constant 0 : i32
    %dma_start3A_11 = arith.constant 0 : i32
    %dma_start3A_12 = tpu.memref_slice %arg3[%dma_start3A_10, %dma_start3A_11] : memref<1000000x128xf32, #tpu.memory_space<hbm>> -> memref<1000000x128xf32, #tpu.memory_space<hbm>>
    tpu.enqueue_indirect_dma source(%dma_start3A_12 : memref<1000000x128xf32, #tpu.memory_space<hbm>>) target(%dma_start3A_7 : memref<128x128xf32, #tpu.memory_space<vmem>>) offsets(%dma_start3A_9 : memref<128xi32, #tpu.memory_space<vmem>>) semaphore(%arg13 : memref<!tpu.dma_semaphore, #tpu.memory_space<semaphore_mem>>)
    %dma_start3A_13 = arith.constant 0 : i32
    %dma_start3A_14 = tpu.memref_slice %arg9[%dma_start3A_13] : memref<512xi32, #tpu.memory_space<vmem>> -> memref<128xi32, #tpu.memory_space<vmem>>
    %dma_start3A_15 = arith.constant 0 : i32
    %dma_start3A_16 = tpu.memref_slice %arg7[%dma_start3A_15] : memref<512xi32, #tpu.memory_space<vmem>> -> memref<128xi32, #tpu.memory_space<vmem>>
    %dma_start3A_17 = arith.constant 0 : i32
    %dma_start3A_18 = tpu.memref_slice %arg4[%dma_start3A_17] : memref<1000000xi32, #tpu.memory_space<hbm>> -> memref<1000000xi32, #tpu.memory_space<hbm>>
    tpu.enqueue_indirect_dma source(%dma_start3A_18 : memref<1000000xi32, #tpu.memory_space<hbm>>) target(%dma_start3A_14 : memref<128xi32, #tpu.memory_space<vmem>>) offsets(%dma_start3A_16 : memref<128xi32, #tpu.memory_space<vmem>>) semaphore(%arg11 : memref<!tpu.dma_semaphore, #tpu.memory_space<semaphore_mem>>)
    %dma_start3A_19 = arith.constant 128 : i32
    %dma_start3A_20 = arith.constant 0 : i32
    %dma_start3A_21 = tpu.memref_slice %arg8[%dma_start3A_19, %dma_start3A_20] : memref<512x128xf32, #tpu.memory_space<vmem>> -> memref<128x128xf32, #tpu.memory_space<vmem>>
    %dma_start3A_22 = arith.constant 128 : i32
    %dma_start3A_23 = tpu.memref_slice %arg7[%dma_start3A_22] : memref<512xi32, #tpu.memory_space<vmem>> -> memref<128xi32, #tpu.memory_space<vmem>>
    %dma_start3A_24 = arith.constant 0 : i32
    %dma_start3A_25 = arith.constant 0 : i32
    %dma_start3A_26 = tpu.memref_slice %arg3[%dma_start3A_24, %dma_start3A_25] : memref<1000000x128xf32, #tpu.memory_space<hbm>> -> memref<1000000x128xf32, #tpu.memory_space<hbm>>
    tpu.enqueue_indirect_dma source(%dma_start3A_26 : memref<1000000x128xf32, #tpu.memory_space<hbm>>) target(%dma_start3A_21 : memref<128x128xf32, #tpu.memory_space<vmem>>) offsets(%dma_start3A_23 : memref<128xi32, #tpu.memory_space<vmem>>) semaphore(%arg14 : memref<!tpu.dma_semaphore, #tpu.memory_space<semaphore_mem>>)
    %dma_start3A_27 = arith.constant 128 : i32
    %dma_start3A_28 = tpu.memref_slice %arg9[%dma_start3A_27] : memref<512xi32, #tpu.memory_space<vmem>> -> memref<128xi32, #tpu.memory_space<vmem>>
    %dma_start3A_29 = arith.constant 128 : i32
    %dma_start3A_30 = tpu.memref_slice %arg7[%dma_start3A_29] : memref<512xi32, #tpu.memory_space<vmem>> -> memref<128xi32, #tpu.memory_space<vmem>>
    %dma_start3A_31 = arith.constant 0 : i32
    %dma_start3A_32 = tpu.memref_slice %arg4[%dma_start3A_31] : memref<1000000xi32, #tpu.memory_space<hbm>> -> memref<1000000xi32, #tpu.memory_space<hbm>>
    tpu.enqueue_indirect_dma source(%dma_start3A_32 : memref<1000000xi32, #tpu.memory_space<hbm>>) target(%dma_start3A_28 : memref<128xi32, #tpu.memory_space<vmem>>) offsets(%dma_start3A_30 : memref<128xi32, #tpu.memory_space<vmem>>) semaphore(%arg11 : memref<!tpu.dma_semaphore, #tpu.memory_space<semaphore_mem>>)
    %dma_start3A_33 = arith.constant 256 : i32
    %dma_start3A_34 = arith.constant 0 : i32
    %dma_start3A_35 = tpu.memref_slice %arg8[%dma_start3A_33, %dma_start3A_34] : memref<512x128xf32, #tpu.memory_space<vmem>> -> memref<128x128xf32, #tpu.memory_space<vmem>>
    %dma_start3A_36 = arith.constant 256 : i32
    %dma_start3A_37 = tpu.memref_slice %arg7[%dma_start3A_36] : memref<512xi32, #tpu.memory_space<vmem>> -> memref<128xi32, #tpu.memory_space<vmem>>
    %dma_start3A_38 = arith.constant 0 : i32
    %dma_start3A_39 = arith.constant 0 : i32
    %dma_start3A_40 = tpu.memref_slice %arg3[%dma_start3A_38, %dma_start3A_39] : memref<1000000x128xf32, #tpu.memory_space<hbm>> -> memref<1000000x128xf32, #tpu.memory_space<hbm>>
    tpu.enqueue_indirect_dma source(%dma_start3A_40 : memref<1000000x128xf32, #tpu.memory_space<hbm>>) target(%dma_start3A_35 : memref<128x128xf32, #tpu.memory_space<vmem>>) offsets(%dma_start3A_37 : memref<128xi32, #tpu.memory_space<vmem>>) semaphore(%arg15 : memref<!tpu.dma_semaphore, #tpu.memory_space<semaphore_mem>>)
    %dma_start3A_41 = arith.constant 256 : i32
    %dma_start3A_42 = tpu.memref_slice %arg9[%dma_start3A_41] : memref<512xi32, #tpu.memory_space<vmem>> -> memref<128xi32, #tpu.memory_space<vmem>>
    %dma_start3A_43 = arith.constant 256 : i32
    %dma_start3A_44 = tpu.memref_slice %arg7[%dma_start3A_43] : memref<512xi32, #tpu.memory_space<vmem>> -> memref<128xi32, #tpu.memory_space<vmem>>
    %dma_start3A_45 = arith.constant 0 : i32
    %dma_start3A_46 = tpu.memref_slice %arg4[%dma_start3A_45] : memref<1000000xi32, #tpu.memory_space<hbm>> -> memref<1000000xi32, #tpu.memory_space<hbm>>
    tpu.enqueue_indirect_dma source(%dma_start3A_46 : memref<1000000xi32, #tpu.memory_space<hbm>>) target(%dma_start3A_42 : memref<128xi32, #tpu.memory_space<vmem>>) offsets(%dma_start3A_44 : memref<128xi32, #tpu.memory_space<vmem>>) semaphore(%arg11 : memref<!tpu.dma_semaphore, #tpu.memory_space<semaphore_mem>>)
    %dma_start3A_47 = arith.constant 384 : i32
    %dma_start3A_48 = arith.constant 0 : i32
    %dma_start3A_49 = tpu.memref_slice %arg8[%dma_start3A_47, %dma_start3A_48] : memref<512x128xf32, #tpu.memory_space<vmem>> -> memref<128x128xf32, #tpu.memory_space<vmem>>
    %dma_start3A_50 = arith.constant 384 : i32
    %dma_start3A_51 = tpu.memref_slice %arg7[%dma_start3A_50] : memref<512xi32, #tpu.memory_space<vmem>> -> memref<128xi32, #tpu.memory_space<vmem>>
    %dma_start3A_52 = arith.constant 0 : i32
    %dma_start3A_53 = arith.constant 0 : i32
    %dma_start3A_54 = tpu.memref_slice %arg3[%dma_start3A_52, %dma_start3A_53] : memref<1000000x128xf32, #tpu.memory_space<hbm>> -> memref<1000000x128xf32, #tpu.memory_space<hbm>>
    tpu.enqueue_indirect_dma source(%dma_start3A_54 : memref<1000000x128xf32, #tpu.memory_space<hbm>>) target(%dma_start3A_49 : memref<128x128xf32, #tpu.memory_space<vmem>>) offsets(%dma_start3A_51 : memref<128xi32, #tpu.memory_space<vmem>>) semaphore(%arg16 : memref<!tpu.dma_semaphore, #tpu.memory_space<semaphore_mem>>)
    %dma_start3A_55 = arith.constant 384 : i32
    %dma_start3A_56 = tpu.memref_slice %arg9[%dma_start3A_55] : memref<512xi32, #tpu.memory_space<vmem>> -> memref<128xi32, #tpu.memory_space<vmem>>
    %dma_start3A_57 = arith.constant 384 : i32
    %dma_start3A_58 = tpu.memref_slice %arg7[%dma_start3A_57] : memref<512xi32, #tpu.memory_space<vmem>> -> memref<128xi32, #tpu.memory_space<vmem>>
    %dma_start3A_59 = arith.constant 0 : i32
    %dma_start3A_60 = tpu.memref_slice %arg4[%dma_start3A_59] : memref<1000000xi32, #tpu.memory_space<hbm>> -> memref<1000000xi32, #tpu.memory_space<hbm>>
    tpu.enqueue_indirect_dma source(%dma_start3A_60 : memref<1000000xi32, #tpu.memory_space<hbm>>) target(%dma_start3A_56 : memref<128xi32, #tpu.memory_space<vmem>>) offsets(%dma_start3A_58 : memref<128xi32, #tpu.memory_space<vmem>>) semaphore(%arg11 : memref<!tpu.dma_semaphore, #tpu.memory_space<semaphore_mem>>)
    %dma_wait3A_61 = arith.constant 0 : i32
    %dma_wait3A_62 = arith.constant 0 : i32
    %dma_wait3A_63 = tpu.memref_slice %arg8[%dma_wait3A_61, %dma_wait3A_62] : memref<512x128xf32, #tpu.memory_space<vmem>> -> memref<128x128xf32, #tpu.memory_space<vmem>>
    %dma_wait3A_64 = arith.constant 0 : i32
    %dma_wait3A_65 = tpu.memref_slice %arg7[%dma_wait3A_64] : memref<512xi32, #tpu.memory_space<vmem>> -> memref<128xi32, #tpu.memory_space<vmem>>
    %dma_wait3A_66 = arith.constant 0 : i32
    %dma_wait3A_67 = arith.constant 0 : i32
    %dma_wait3A_68 = tpu.memref_slice %arg3[%dma_wait3A_66, %dma_wait3A_67] : memref<1000000x128xf32, #tpu.memory_space<hbm>> -> memref<1000000x128xf32, #tpu.memory_space<hbm>>
    tpu.wait_indirect_dma semaphore(%arg13 : memref<!tpu.dma_semaphore, #tpu.memory_space<semaphore_mem>>) src(%dma_wait3A_68 : memref<1000000x128xf32, #tpu.memory_space<hbm>>) dst(%dma_wait3A_63 : memref<128x128xf32, #tpu.memory_space<vmem>>)
    %add3A_69 = arith.constant 0 : i32
    %add3A_70 = arith.addi %mul3A_2, %add3A_69 : i32
    %dma_start3A_71 = arith.constant 0 : i32
    %dma_start3A_72 = arith.constant 0 : i32
    %dma_start3A_73 = tpu.memref_slice %arg8[%dma_start3A_71, %dma_start3A_72] : memref<512x128xf32, #tpu.memory_space<vmem>> -> memref<128x128xf32, #tpu.memory_space<vmem>>
    %dma_start3A_74 = arith.constant 0 : i32
    %dma_start3A_75 = tpu.memref_slice %arg5[%add3A_70, %dma_start3A_74] : memref<16384x128xf32, #tpu.memory_space<hbm>> -> memref<128x128xf32, #tpu.memory_space<hbm>>
    %dma_start3A_76 = arith.constant 0 : i32
    %dma_start3A_77 = tpu.memref_slice %arg5[%add3A_70, %dma_start3A_76] : memref<16384x128xf32, #tpu.memory_space<hbm>> -> memref<128x128xf32, #tpu.memory_space<hbm>>
    %dma_start3A_78 = arith.constant 0 : i32
    %dma_start3A_79 = arith.constant 0 : i32
    %dma_start3A_80 = tpu.memref_slice %arg8[%dma_start3A_78, %dma_start3A_79] : memref<512x128xf32, #tpu.memory_space<vmem>> -> memref<128x128xf32, #tpu.memory_space<vmem>>
    tpu.enqueue_dma source(%dma_start3A_80 : memref<128x128xf32, #tpu.memory_space<vmem>>) target(%dma_start3A_77 : memref<128x128xf32, #tpu.memory_space<hbm>>) target_semaphore(%arg12 : memref<!tpu.dma_semaphore, #tpu.memory_space<semaphore_mem>>)
    %dma_wait3A_81 = arith.constant 128 : i32
    %dma_wait3A_82 = arith.constant 0 : i32
    %dma_wait3A_83 = tpu.memref_slice %arg8[%dma_wait3A_81, %dma_wait3A_82] : memref<512x128xf32, #tpu.memory_space<vmem>> -> memref<128x128xf32, #tpu.memory_space<vmem>>
    %dma_wait3A_84 = arith.constant 128 : i32
    %dma_wait3A_85 = tpu.memref_slice %arg7[%dma_wait3A_84] : memref<512xi32, #tpu.memory_space<vmem>> -> memref<128xi32, #tpu.memory_space<vmem>>
    %dma_wait3A_86 = arith.constant 0 : i32
    %dma_wait3A_87 = arith.constant 0 : i32
    %dma_wait3A_88 = tpu.memref_slice %arg3[%dma_wait3A_86, %dma_wait3A_87] : memref<1000000x128xf32, #tpu.memory_space<hbm>> -> memref<1000000x128xf32, #tpu.memory_space<hbm>>
    tpu.wait_indirect_dma semaphore(%arg14 : memref<!tpu.dma_semaphore, #tpu.memory_space<semaphore_mem>>) src(%dma_wait3A_88 : memref<1000000x128xf32, #tpu.memory_space<hbm>>) dst(%dma_wait3A_83 : memref<128x128xf32, #tpu.memory_space<vmem>>)
    %add3A_89 = arith.constant 128 : i32
    %add3A_90 = arith.addi %mul3A_2, %add3A_89 : i32
    %dma_start3A_91 = arith.constant 128 : i32
    %dma_start3A_92 = arith.constant 0 : i32
    %dma_start3A_93 = tpu.memref_slice %arg8[%dma_start3A_91, %dma_start3A_92] : memref<512x128xf32, #tpu.memory_space<vmem>> -> memref<128x128xf32, #tpu.memory_space<vmem>>
    %dma_start3A_94 = arith.constant 0 : i32
    %dma_start3A_95 = tpu.memref_slice %arg5[%add3A_90, %dma_start3A_94] : memref<16384x128xf32, #tpu.memory_space<hbm>> -> memref<128x128xf32, #tpu.memory_space<hbm>>
    %dma_start3A_96 = arith.constant 0 : i32
    %dma_start3A_97 = tpu.memref_slice %arg5[%add3A_90, %dma_start3A_96] : memref<16384x128xf32, #tpu.memory_space<hbm>> -> memref<128x128xf32, #tpu.memory_space<hbm>>
    %dma_start3A_98 = arith.constant 128 : i32
    %dma_start3A_99 = arith.constant 0 : i32
    %dma_start3A_100 = tpu.memref_slice %arg8[%dma_start3A_98, %dma_start3A_99] : memref<512x128xf32, #tpu.memory_space<vmem>> -> memref<128x128xf32, #tpu.memory_space<vmem>>
    tpu.enqueue_dma source(%dma_start3A_100 : memref<128x128xf32, #tpu.memory_space<vmem>>) target(%dma_start3A_97 : memref<128x128xf32, #tpu.memory_space<hbm>>) target_semaphore(%arg12 : memref<!tpu.dma_semaphore, #tpu.memory_space<semaphore_mem>>)
    %dma_wait3A_101 = arith.constant 256 : i32
    %dma_wait3A_102 = arith.constant 0 : i32
    %dma_wait3A_103 = tpu.memref_slice %arg8[%dma_wait3A_101, %dma_wait3A_102] : memref<512x128xf32, #tpu.memory_space<vmem>> -> memref<128x128xf32, #tpu.memory_space<vmem>>
    %dma_wait3A_104 = arith.constant 256 : i32
    %dma_wait3A_105 = tpu.memref_slice %arg7[%dma_wait3A_104] : memref<512xi32, #tpu.memory_space<vmem>> -> memref<128xi32, #tpu.memory_space<vmem>>
    %dma_wait3A_106 = arith.constant 0 : i32
    %dma_wait3A_107 = arith.constant 0 : i32
    %dma_wait3A_108 = tpu.memref_slice %arg3[%dma_wait3A_106, %dma_wait3A_107] : memref<1000000x128xf32, #tpu.memory_space<hbm>> -> memref<1000000x128xf32, #tpu.memory_space<hbm>>
    tpu.wait_indirect_dma semaphore(%arg15 : memref<!tpu.dma_semaphore, #tpu.memory_space<semaphore_mem>>) src(%dma_wait3A_108 : memref<1000000x128xf32, #tpu.memory_space<hbm>>) dst(%dma_wait3A_103 : memref<128x128xf32, #tpu.memory_space<vmem>>)
    %add3A_109 = arith.constant 256 : i32
    %add3A_110 = arith.addi %mul3A_2, %add3A_109 : i32
    %dma_start3A_111 = arith.constant 256 : i32
    %dma_start3A_112 = arith.constant 0 : i32
    %dma_start3A_113 = tpu.memref_slice %arg8[%dma_start3A_111, %dma_start3A_112] : memref<512x128xf32, #tpu.memory_space<vmem>> -> memref<128x128xf32, #tpu.memory_space<vmem>>
    %dma_start3A_114 = arith.constant 0 : i32
    %dma_start3A_115 = tpu.memref_slice %arg5[%add3A_110, %dma_start3A_114] : memref<16384x128xf32, #tpu.memory_space<hbm>> -> memref<128x128xf32, #tpu.memory_space<hbm>>
    %dma_start3A_116 = arith.constant 0 : i32
    %dma_start3A_117 = tpu.memref_slice %arg5[%add3A_110, %dma_start3A_116] : memref<16384x128xf32, #tpu.memory_space<hbm>> -> memref<128x128xf32, #tpu.memory_space<hbm>>
    %dma_start3A_118 = arith.constant 256 : i32
    %dma_start3A_119 = arith.constant 0 : i32
    %dma_start3A_120 = tpu.memref_slice %arg8[%dma_start3A_118, %dma_start3A_119] : memref<512x128xf32, #tpu.memory_space<vmem>> -> memref<128x128xf32, #tpu.memory_space<vmem>>
    tpu.enqueue_dma source(%dma_start3A_120 : memref<128x128xf32, #tpu.memory_space<vmem>>) target(%dma_start3A_117 : memref<128x128xf32, #tpu.memory_space<hbm>>) target_semaphore(%arg12 : memref<!tpu.dma_semaphore, #tpu.memory_space<semaphore_mem>>)
    %dma_wait3A_121 = arith.constant 384 : i32
    %dma_wait3A_122 = arith.constant 0 : i32
    %dma_wait3A_123 = tpu.memref_slice %arg8[%dma_wait3A_121, %dma_wait3A_122] : memref<512x128xf32, #tpu.memory_space<vmem>> -> memref<128x128xf32, #tpu.memory_space<vmem>>
    %dma_wait3A_124 = arith.constant 384 : i32
    %dma_wait3A_125 = tpu.memref_slice %arg7[%dma_wait3A_124] : memref<512xi32, #tpu.memory_space<vmem>> -> memref<128xi32, #tpu.memory_space<vmem>>
    %dma_wait3A_126 = arith.constant 0 : i32
    %dma_wait3A_127 = arith.constant 0 : i32
    %dma_wait3A_128 = tpu.memref_slice %arg3[%dma_wait3A_126, %dma_wait3A_127] : memref<1000000x128xf32, #tpu.memory_space<hbm>> -> memref<1000000x128xf32, #tpu.memory_space<hbm>>
    tpu.wait_indirect_dma semaphore(%arg16 : memref<!tpu.dma_semaphore, #tpu.memory_space<semaphore_mem>>) src(%dma_wait3A_128 : memref<1000000x128xf32, #tpu.memory_space<hbm>>) dst(%dma_wait3A_123 : memref<128x128xf32, #tpu.memory_space<vmem>>)
    %add3A_129 = arith.constant 384 : i32
    %add3A_130 = arith.addi %mul3A_2, %add3A_129 : i32
    %dma_start3A_131 = arith.constant 384 : i32
    %dma_start3A_132 = arith.constant 0 : i32
    %dma_start3A_133 = tpu.memref_slice %arg8[%dma_start3A_131, %dma_start3A_132] : memref<512x128xf32, #tpu.memory_space<vmem>> -> memref<128x128xf32, #tpu.memory_space<vmem>>
    %dma_start3A_134 = arith.constant 0 : i32
    %dma_start3A_135 = tpu.memref_slice %arg5[%add3A_130, %dma_start3A_134] : memref<16384x128xf32, #tpu.memory_space<hbm>> -> memref<128x128xf32, #tpu.memory_space<hbm>>
    %dma_start3A_136 = arith.constant 0 : i32
    %dma_start3A_137 = tpu.memref_slice %arg5[%add3A_130, %dma_start3A_136] : memref<16384x128xf32, #tpu.memory_space<hbm>> -> memref<128x128xf32, #tpu.memory_space<hbm>>
    %dma_start3A_138 = arith.constant 384 : i32
    %dma_start3A_139 = arith.constant 0 : i32
    %dma_start3A_140 = tpu.memref_slice %arg8[%dma_start3A_138, %dma_start3A_139] : memref<512x128xf32, #tpu.memory_space<vmem>> -> memref<128x128xf32, #tpu.memory_space<vmem>>
    tpu.enqueue_dma source(%dma_start3A_140 : memref<128x128xf32, #tpu.memory_space<vmem>>) target(%dma_start3A_137 : memref<128x128xf32, #tpu.memory_space<hbm>>) target_semaphore(%arg12 : memref<!tpu.dma_semaphore, #tpu.memory_space<semaphore_mem>>)
    %dma_wait3A_141 = arith.constant 0 : i32
    %dma_wait3A_142 = tpu.memref_slice %arg9[%dma_wait3A_141] : memref<512xi32, #tpu.memory_space<vmem>> -> memref<128xi32, #tpu.memory_space<vmem>>
    %dma_wait3A_143 = arith.constant 0 : i32
    %dma_wait3A_144 = tpu.memref_slice %arg7[%dma_wait3A_143] : memref<512xi32, #tpu.memory_space<vmem>> -> memref<128xi32, #tpu.memory_space<vmem>>
    %dma_wait3A_145 = arith.constant 0 : i32
    %dma_wait3A_146 = tpu.memref_slice %arg4[%dma_wait3A_145] : memref<1000000xi32, #tpu.memory_space<hbm>> -> memref<1000000xi32, #tpu.memory_space<hbm>>
    tpu.wait_indirect_dma semaphore(%arg11 : memref<!tpu.dma_semaphore, #tpu.memory_space<semaphore_mem>>) src(%dma_wait3A_146 : memref<1000000xi32, #tpu.memory_space<hbm>>) dst(%dma_wait3A_142 : memref<128xi32, #tpu.memory_space<vmem>>)
    %dma_wait3A_147 = arith.constant 128 : i32
    %dma_wait3A_148 = tpu.memref_slice %arg9[%dma_wait3A_147] : memref<512xi32, #tpu.memory_space<vmem>> -> memref<128xi32, #tpu.memory_space<vmem>>
    %dma_wait3A_149 = arith.constant 128 : i32
    %dma_wait3A_150 = tpu.memref_slice %arg7[%dma_wait3A_149] : memref<512xi32, #tpu.memory_space<vmem>> -> memref<128xi32, #tpu.memory_space<vmem>>
    %dma_wait3A_151 = arith.constant 0 : i32
    %dma_wait3A_152 = tpu.memref_slice %arg4[%dma_wait3A_151] : memref<1000000xi32, #tpu.memory_space<hbm>> -> memref<1000000xi32, #tpu.memory_space<hbm>>
    tpu.wait_indirect_dma semaphore(%arg11 : memref<!tpu.dma_semaphore, #tpu.memory_space<semaphore_mem>>) src(%dma_wait3A_152 : memref<1000000xi32, #tpu.memory_space<hbm>>) dst(%dma_wait3A_148 : memref<128xi32, #tpu.memory_space<vmem>>)
    %dma_wait3A_153 = arith.constant 256 : i32
    %dma_wait3A_154 = tpu.memref_slice %arg9[%dma_wait3A_153] : memref<512xi32, #tpu.memory_space<vmem>> -> memref<128xi32, #tpu.memory_space<vmem>>
    %dma_wait3A_155 = arith.constant 256 : i32
    %dma_wait3A_156 = tpu.memref_slice %arg7[%dma_wait3A_155] : memref<512xi32, #tpu.memory_space<vmem>> -> memref<128xi32, #tpu.memory_space<vmem>>
    %dma_wait3A_157 = arith.constant 0 : i32
    %dma_wait3A_158 = tpu.memref_slice %arg4[%dma_wait3A_157] : memref<1000000xi32, #tpu.memory_space<hbm>> -> memref<1000000xi32, #tpu.memory_space<hbm>>
    tpu.wait_indirect_dma semaphore(%arg11 : memref<!tpu.dma_semaphore, #tpu.memory_space<semaphore_mem>>) src(%dma_wait3A_158 : memref<1000000xi32, #tpu.memory_space<hbm>>) dst(%dma_wait3A_154 : memref<128xi32, #tpu.memory_space<vmem>>)
    %dma_wait3A_159 = arith.constant 384 : i32
    %dma_wait3A_160 = tpu.memref_slice %arg9[%dma_wait3A_159] : memref<512xi32, #tpu.memory_space<vmem>> -> memref<128xi32, #tpu.memory_space<vmem>>
    %dma_wait3A_161 = arith.constant 384 : i32
    %dma_wait3A_162 = tpu.memref_slice %arg7[%dma_wait3A_161] : memref<512xi32, #tpu.memory_space<vmem>> -> memref<128xi32, #tpu.memory_space<vmem>>
    %dma_wait3A_163 = arith.constant 0 : i32
    %dma_wait3A_164 = tpu.memref_slice %arg4[%dma_wait3A_163] : memref<1000000xi32, #tpu.memory_space<hbm>> -> memref<1000000xi32, #tpu.memory_space<hbm>>
    tpu.wait_indirect_dma semaphore(%arg11 : memref<!tpu.dma_semaphore, #tpu.memory_space<semaphore_mem>>) src(%dma_wait3A_164 : memref<1000000xi32, #tpu.memory_space<hbm>>) dst(%dma_wait3A_160 : memref<128xi32, #tpu.memory_space<vmem>>)
    %dma_start3A_165 = tpu.memref_slice %arg6[%mul3A_2] : memref<16384xi32, #tpu.memory_space<hbm>> -> memref<512xi32, #tpu.memory_space<hbm>>
    %dma_start3A_166 = tpu.memref_slice %arg6[%mul3A_2] : memref<16384xi32, #tpu.memory_space<hbm>> -> memref<512xi32, #tpu.memory_space<hbm>>
    tpu.enqueue_dma source(%arg9 : memref<512xi32, #tpu.memory_space<vmem>>) target(%dma_start3A_166 : memref<512xi32, #tpu.memory_space<hbm>>) target_semaphore(%arg12 : memref<!tpu.dma_semaphore, #tpu.memory_space<semaphore_mem>>)
    %add3A_167 = arith.constant 0 : i32
    %add3A_168 = arith.addi %mul3A_2, %add3A_167 : i32
    %dma_wait3A_169 = arith.constant 0 : i32
    %dma_wait3A_170 = arith.constant 0 : i32
    %dma_wait3A_171 = tpu.memref_slice %arg8[%dma_wait3A_169, %dma_wait3A_170] : memref<512x128xf32, #tpu.memory_space<vmem>> -> memref<128x128xf32, #tpu.memory_space<vmem>>
    %dma_wait3A_172 = arith.constant 0 : i32
    %dma_wait3A_173 = tpu.memref_slice %arg5[%add3A_168, %dma_wait3A_172] : memref<16384x128xf32, #tpu.memory_space<hbm>> -> memref<128x128xf32, #tpu.memory_space<hbm>>
    %dma_wait3A_174 = arith.constant 0 : i32
    %dma_wait3A_175 = tpu.memref_slice %arg5[%add3A_168, %dma_wait3A_174] : memref<16384x128xf32, #tpu.memory_space<hbm>> -> memref<128x128xf32, #tpu.memory_space<hbm>>
    %dma_wait3A_176 = arith.constant 0 : i32
    %dma_wait3A_177 = arith.constant 0 : i32
    %dma_wait3A_178 = tpu.memref_slice %arg8[%dma_wait3A_176, %dma_wait3A_177] : memref<512x128xf32, #tpu.memory_space<vmem>> -> memref<128x128xf32, #tpu.memory_space<vmem>>
    tpu.wait_dma2 semaphore(%arg12 : memref<!tpu.dma_semaphore, #tpu.memory_space<semaphore_mem>>) src(%dma_wait3A_178 : memref<128x128xf32, #tpu.memory_space<vmem>>) dst(%dma_wait3A_175 : memref<128x128xf32, #tpu.memory_space<hbm>>)
    %add3A_179 = arith.constant 128 : i32
    %add3A_180 = arith.addi %mul3A_2, %add3A_179 : i32
    %dma_wait3A_181 = arith.constant 128 : i32
    %dma_wait3A_182 = arith.constant 0 : i32
    %dma_wait3A_183 = tpu.memref_slice %arg8[%dma_wait3A_181, %dma_wait3A_182] : memref<512x128xf32, #tpu.memory_space<vmem>> -> memref<128x128xf32, #tpu.memory_space<vmem>>
    %dma_wait3A_184 = arith.constant 0 : i32
    %dma_wait3A_185 = tpu.memref_slice %arg5[%add3A_180, %dma_wait3A_184] : memref<16384x128xf32, #tpu.memory_space<hbm>> -> memref<128x128xf32, #tpu.memory_space<hbm>>
    %dma_wait3A_186 = arith.constant 0 : i32
    %dma_wait3A_187 = tpu.memref_slice %arg5[%add3A_180, %dma_wait3A_186] : memref<16384x128xf32, #tpu.memory_space<hbm>> -> memref<128x128xf32, #tpu.memory_space<hbm>>
    %dma_wait3A_188 = arith.constant 128 : i32
    %dma_wait3A_189 = arith.constant 0 : i32
    %dma_wait3A_190 = tpu.memref_slice %arg8[%dma_wait3A_188, %dma_wait3A_189] : memref<512x128xf32, #tpu.memory_space<vmem>> -> memref<128x128xf32, #tpu.memory_space<vmem>>
    tpu.wait_dma2 semaphore(%arg12 : memref<!tpu.dma_semaphore, #tpu.memory_space<semaphore_mem>>) src(%dma_wait3A_190 : memref<128x128xf32, #tpu.memory_space<vmem>>) dst(%dma_wait3A_187 : memref<128x128xf32, #tpu.memory_space<hbm>>)
    %add3A_191 = arith.constant 256 : i32
    %add3A_192 = arith.addi %mul3A_2, %add3A_191 : i32
    %dma_wait3A_193 = arith.constant 256 : i32
    %dma_wait3A_194 = arith.constant 0 : i32
    %dma_wait3A_195 = tpu.memref_slice %arg8[%dma_wait3A_193, %dma_wait3A_194] : memref<512x128xf32, #tpu.memory_space<vmem>> -> memref<128x128xf32, #tpu.memory_space<vmem>>
    %dma_wait3A_196 = arith.constant 0 : i32
    %dma_wait3A_197 = tpu.memref_slice %arg5[%add3A_192, %dma_wait3A_196] : memref<16384x128xf32, #tpu.memory_space<hbm>> -> memref<128x128xf32, #tpu.memory_space<hbm>>
    %dma_wait3A_198 = arith.constant 0 : i32
    %dma_wait3A_199 = tpu.memref_slice %arg5[%add3A_192, %dma_wait3A_198] : memref<16384x128xf32, #tpu.memory_space<hbm>> -> memref<128x128xf32, #tpu.memory_space<hbm>>
    %dma_wait3A_200 = arith.constant 256 : i32
    %dma_wait3A_201 = arith.constant 0 : i32
    %dma_wait3A_202 = tpu.memref_slice %arg8[%dma_wait3A_200, %dma_wait3A_201] : memref<512x128xf32, #tpu.memory_space<vmem>> -> memref<128x128xf32, #tpu.memory_space<vmem>>
    tpu.wait_dma2 semaphore(%arg12 : memref<!tpu.dma_semaphore, #tpu.memory_space<semaphore_mem>>) src(%dma_wait3A_202 : memref<128x128xf32, #tpu.memory_space<vmem>>) dst(%dma_wait3A_199 : memref<128x128xf32, #tpu.memory_space<hbm>>)
    %add3A_203 = arith.constant 384 : i32
    %add3A_204 = arith.addi %mul3A_2, %add3A_203 : i32
    %dma_wait3A_205 = arith.constant 384 : i32
    %dma_wait3A_206 = arith.constant 0 : i32
    %dma_wait3A_207 = tpu.memref_slice %arg8[%dma_wait3A_205, %dma_wait3A_206] : memref<512x128xf32, #tpu.memory_space<vmem>> -> memref<128x128xf32, #tpu.memory_space<vmem>>
    %dma_wait3A_208 = arith.constant 0 : i32
    %dma_wait3A_209 = tpu.memref_slice %arg5[%add3A_204, %dma_wait3A_208] : memref<16384x128xf32, #tpu.memory_space<hbm>> -> memref<128x128xf32, #tpu.memory_space<hbm>>
    %dma_wait3A_210 = arith.constant 0 : i32
    %dma_wait3A_211 = tpu.memref_slice %arg5[%add3A_204, %dma_wait3A_210] : memref<16384x128xf32, #tpu.memory_space<hbm>> -> memref<128x128xf32, #tpu.memory_space<hbm>>
    %dma_wait3A_212 = arith.constant 384 : i32
    %dma_wait3A_213 = arith.constant 0 : i32
    %dma_wait3A_214 = tpu.memref_slice %arg8[%dma_wait3A_212, %dma_wait3A_213] : memref<512x128xf32, #tpu.memory_space<vmem>> -> memref<128x128xf32, #tpu.memory_space<vmem>>
    tpu.wait_dma2 semaphore(%arg12 : memref<!tpu.dma_semaphore, #tpu.memory_space<semaphore_mem>>) src(%dma_wait3A_214 : memref<128x128xf32, #tpu.memory_space<vmem>>) dst(%dma_wait3A_211 : memref<128x128xf32, #tpu.memory_space<hbm>>)
    %dma_wait3A_215 = tpu.memref_slice %arg6[%mul3A_2] : memref<16384xi32, #tpu.memory_space<hbm>> -> memref<512xi32, #tpu.memory_space<hbm>>
    %dma_wait3A_216 = tpu.memref_slice %arg6[%mul3A_2] : memref<16384xi32, #tpu.memory_space<hbm>> -> memref<512xi32, #tpu.memory_space<hbm>>
    tpu.wait_dma2 semaphore(%arg12 : memref<!tpu.dma_semaphore, #tpu.memory_space<semaphore_mem>>) src(%arg9 : memref<512xi32, #tpu.memory_space<vmem>>) dst(%dma_wait3A_216 : memref<512xi32, #tpu.memory_space<hbm>>)
    return
  }
}

</mosaic_0001>

<sc_bundles>
// kernel: kernel.3.cloned.1.call-start
scs
__scs_entry_jumppad:
0x0: {  	(pc) =	sbr.rel $0x88, $3  }
0x1: {  	(tag) =	ssettag $0x0;
	lr =	simm.s32 $0x1  }
0x2: {  	[smem:$0x3F9E] =	sst lr;
	_ =	strace $0xD0000000  }
0x3: {  	_ = 	snop  }
0x4: {  	_ = 	snop  }
0x5: {  	_ = 	snop  }
0x6: {  	_ = 	snop  }
0x7: {  	_ = 	snop  }
__scs_overlays_trampoline_lowered:
0x8: {  	[smem:$0x3FAD] =	sst s0  }
0x9: {  	[smem:$0x3FAE] =	sst s1  }
0xa: {  	[smem:$0x3FAF] =	sst s2  }
0xb: {  	[smem:$0x3FB0] =	sst s3  }
0xc: {  	[smem:$0x3FB1] =	sst s4  }
0xd: {  	[smem:$0x3FB2] =	sst s5  }
0xe: {  	[smem:$0x3FB3] =	sst s6  }
0xf: {  	[smem:$0x3FB4] =	sst s7  }
0x10: {  	[smem:$0x3FB5] =	sst s8  }
0x11: {  	[smem:$0x3FB6] =	sst s9;
	s0 =	simm.s32 @!p0 $0x0  }
0x12: {  	s1 =	sld [smem:$0x3F9C];
	s0 =	simm.s32 @p0 $0x1  }
0x13: {  	[smem:$0x3FB7] =	sst s0;
	s0 =	simm.s32 @!p1 $0x0  }
0x14: {  	s2 =	sld [smem:$0x3F9B];
	s0 =	simm.s32 @p1 $0x1  }
0x15: {  	[smem:$0x3FB8] =	sst s0;
	s0 =	simm.s32 @!p2 $0x0  }
0x16: {  	s3 =	sld [smem:$0x3FDB];
	s0 =	simm.s32 @p2 $0x1  }
0x17: {  	s4 =	simm.s32 $0x1BF5;
	[smem:$0x3FBA] =	sst s0  }
0x18: {  	s0 =	sld [smem:$0x3F9D];
	_ =	swait.ge [sflag:s4], $0x0  }
0x19: {  	s7 =	sld [smem:$0x3F9E]  }
0x1a: {  	s8 =	sadd.s32 $0xFFFFE003, lr  }
0x1b: {  	s9 =	sadd.s32 $0xFFFFFEF7, lr;
	s5 =	simm.s32 $0xFFFFFFFF;
	p2 =	slt.u32 s8, $0xFFFFF086  }
0x1c: {  	p1 =	slt.u32 s9, $0xF7A;
	s5 =	simm.s32 @!p2 $0x0  }
0x1d: {  	s5 =	simm.s32 @p1 $0x1;
	p0 =	seq.s32 s7, s2  }
0x1e: {  	s7 =	smul.u32 @!p0 $0xF7A, s2;
	p2 =	seq.s32 @!p0 s5, $0x0  }
0x1f: {  	s9 =	smul.u32 $0xF7A, s1;
	s8 =	simm.s32 @!p0 $0x1BF5;
	p2 =	por !p2, p0  }
0x20: {  	[sflag:s8] =	ssyncset.s32 @!p0 $0xFFFFF086;
	s6 =	sadd.s32 @!p0 s3, s7;
	s7 =	simm.s32 @!p0 $0x108  }
0x21: {  	s3 =	sadd.s32 s3, s9;
	s6 =	sadd.s32 @!p0 $0x88, s6;
	s7 =	simm.s32 @p2 $0x1082  }
0x22: {  	[simem:s7], [sflag:s8] =	dma.local @!p0 [hbm:s6], $0xF7A  }
0x23: {  	s9 =	sor.u32 $0xD0000000, s2;
	s6 =	simm.s32 $0x108;
	_ =	swait.ge @!p0 [sflag:s8], $0x0  }
0x24: {  	s3 =	sadd.s32 $0x88, s3;
	s6 =	simm.s32 @!p1 $0x1082;
	[sflag:s4] =	ssyncset.s32 $0xFFFFF086  }
0x25: {  	[simem:s6], [sflag:s4] =	dma.local [hbm:s3], $0xF7A  }
0x26: {  	[smem:$0x3F9E] =	sst s1;
	(tag) =	ssettag s2;
	_ =	strace s9  }
0x27: {  	s1 =	sld [smem:$0x3FAE]  }
0x28: {  	s2 =	sld [smem:$0x3FAF]  }
0x29: {  	s4 =	sld [smem:$0x3FB1]  }
0x2a: {  	p0 =	seq.s32 s5, $0x0;
	s5 =	sld [smem:$0x3FB2]  }
0x2b: {  	s6 =	sld [smem:$0x3FB3]  }
0x2c: {  	s7 =	sld [smem:$0x3FB4]  }
0x2d: {  	s3 =	simm.s32 $0x108;
	s8 =	sld [smem:$0x3FB5]  }
0x2e: {  	s3 =	simm.s32 @!p0 $0x1082;
	s9 =	sld [smem:$0x3FB6]  }
0x2f: {  	lr =	sadd.s32 s0, s3;
	s0 =	sld [smem:$0x3FAD]  }
0x30: {  	s3 =	sld [smem:$0x3FB0]  }
0x31: {  	[smem:$0x3FB9] =	sst s10  }
0x32: {  	s10 =	sld [smem:$0x3FB7];
	_ =	sdelay $0x3  }
0x33: {  	p0 =	seq.s32 s10, $0x1;
	s10 =	sld [smem:$0x3FB9];
	_ =	sdelay $0x3  }
0x34: {  	[smem:$0x3FB9] =	sst s10  }
0x35: {  	s10 =	sld [smem:$0x3FB8];
	_ =	sdelay $0x3  }
0x36: {  	p1 =	seq.s32 s10, $0x1;
	s10 =	sld [smem:$0x3FB9];
	_ =	sdelay $0x3  }
0x37: {  	[smem:$0x3FB9] =	sst s10  }
0x38: {  	s10 =	sld [smem:$0x3FBA]  }
0x39: {  	_ = 	snop;
	(pc) =	sbr.ind lr, $3  }
0x3a: {  	_ = 	snop  }
0x3b: {  	_ = 	snop  }
0x3c: {  	p2 =	seq.s32 s10, $0x1;
	s10 =	sld [smem:$0x3FB9]  }
0x3d: {  	_ =	shalt  }
0x3e: {  	_ =	shalt  }
0x3f: {  	_ =	shalt  }
0x40: {  	_ =	shalt  }
0x41: {  	_ =	shalt  }
0x42: {  	_ =	shalt  }
0x43: {  	_ =	shalt  }
0x44: {  	_ =	shalt  }
0x45: {  	_ =	shalt  }
0x46: {  	_ =	shalt  }
0x47: {  	_ =	shalt  }
0x48: {  	_ =	shalt  }
0x49: {  	_ =	shalt  }
0x4a: {  	_ =	shalt  }
0x4b: {  	_ =	shalt  }
0x4c: {  	_ =	shalt  }
0x4d: {  	_ =	shalt  }
0x4e: {  	_ =	shalt  }
0x4f: {  	_ =	shalt  }
0x50: {  	_ =	shalt  }
0x51: {  	_ =	shalt  }
0x52: {  	_ =	shalt  }
0x53: {  	_ =	shalt  }
0x54: {  	_ =	shalt  }
0x55: {  	_ =	shalt  }
0x56: {  	_ =	shalt  }
0x57: {  	_ =	shalt  }
0x58: {  	_ =	shalt  }
0x59: {  	_ =	shalt  }
0x5a: {  	_ =	shalt  }
0x5b: {  	_ =	shalt  }
0x5c: {  	_ =	shalt  }
0x5d: {  	_ =	shalt  }
0x5e: {  	_ =	shalt  }
0x5f: {  	_ =	shalt  }
0x60: {  	_ =	shalt  }
0x61: {  	_ =	shalt  }
0x62: {  	_ =	shalt  }
0x63: {  	_ =	shalt  }
0x64: {  	_ =	shalt  }
0x65: {  	_ =	shalt  }
0x66: {  	_ =	shalt  }
0x67: {  	_ =	shalt  }
0x68: {  	_ =	shalt  }
0x69: {  	_ =	shalt  }
0x6a: {  	_ =	shalt  }
0x6b: {  	_ =	shalt  }
0x6c: {  	_ =	shalt  }
0x6d: {  	_ =	shalt  }
0x6e: {  	_ =	shalt  }
0x6f: {  	_ =	shalt  }
0x70: {  	_ =	shalt  }
0x71: {  	_ =	shalt  }
0x72: {  	_ =	shalt  }
0x73: {  	_ =	shalt  }
0x74: {  	_ =	shalt  }
0x75: {  	_ =	shalt  }
0x76: {  	_ =	shalt  }
0x77: {  	_ =	shalt  }
0x78: {  	_ =	shalt  }
0x79: {  	_ =	shalt  }
0x7a: {  	_ =	shalt  }
0x7b: {  	_ =	shalt  }
0x7c: {  	_ =	shalt  }
0x7d: {  	_ =	shalt  }
0x7e: {  	_ =	shalt  }
0x7f: {  	_ =	shalt  }
0x80: {  	_ =	shalt  }
0x81: {  	_ =	shalt  }
0x82: {  	_ =	shalt  }
0x83: {  	_ =	shalt  }
0x84: {  	_ =	shalt  }
0x85: {  	_ =	shalt  }
0x86: {  	_ =	shalt  }
0x87: {  	_ =	shalt  }
.Lfunc_end0:
.L_simem_size_0:
called_computation_lowered:
.L_overlay_start_0:
0x88: {  	s2 =	sld [smem:$0x3FD9]  }
0x89: {  	s3 =	sld [smem:$0x3FFE];
	_ =	sdelay $0x1  }
0x8a: {  	s1 =	srdreg.scid  }
0x8b: {  	s0 =	sand.u32 $0x1, s1  }
0x8c: {  	s15 =	sshll.u32 s0, $0xA;
	s2 =	sadd.s32 s3, s2  }
0x8d: {  	s2 =	sadd.s32 s2, s15  }
0x8e: {  	[smem:$0x3FC5] =	sst s2  }
0x8f: {  	_ = 	snop  }
0x90: {  	s2 =	sld [smem:$0x3FD0]  }
0x91: {  	s16 =	sld [smem:$0x3FC9]  }
0x92: {  	s4 =	sld [smem:$0x3FC8]  }
0x93: {  	s6 =	simm.s32 $0xA;
	s7 =	simm.s32 $0x10;
	s5 =	sld [smem:$0x3FC7]  }
0x94: {  	[smem:s7], [sflag:s6] =	dma.local [hbm:s2], $0x1  }
0x95: {  	_ =	swait.eq [sflag:s6], $0x1  }
0x96: {  	[sflag:s6] =	ssyncset.done $0x0  }
0x97: {  	s17 =	sld [smem:$0x10];
	[sflag:s6] =	ssyncadd.s32 $0xFFFFFFFF  }
0x98: {  	s18 =	sld [smem:$0x11];
	(tm) =	ssettm $0x1  }
0x99: {  	s19 =	sld [smem:$0x3FFB];
	_ =	sdelay $0x3  }
0x9a: {  	_ =	strace s19  }
0x9b: {  	s7 =	sld [smem:$0x3FFC];
	_ =	sdelay $0x3  }
0x9c: {  	_ =	strace s7  }
0x9d: {  	s7 =	sld [smem:$0x3FFD];
	_ =	sdelay $0x3  }
0x9e: {  	_ =	strace s7  }
0x9f: {  	_ =	strace $0x8FFFFFFF  }
0xa0: {  	s20 =	sld [smem:$0x3FDB];
	_ =	sdelay $0x1  }
0xa1: {  	s8 =	simm.s32 $_scs_section_size  }
0xa2: {  	s9 =	simm.s32 $_size__tile_overlayer_lowered;
	s10 =	simm.s32 $_tile_overlayer_lowered  }
0xa3: {  	s23 =	simm.s32 $0x1BFF;
	s22 =	sshll.u32 s10, $0x1;
	s7 =	sadd.s32 s8, s20  }
0xa4: {  	s11 =	simm.s32 $0x0;
	s21 =	sshll.u32 s9, $0x1;
	s9 =	sadd.s32 s22, s7  }
0xa5: {  	[timem:s11], [sflag:s23] =	dma.local [hbm:s9], s21  }
0xa6: {  	_ =	swait.ge [sflag:s23], s21  }
0xa7: {  	s8 =	ssub.s32 $0x0, s21;
	[sflag:s23] =	ssyncset.done $0x0  }
0xa8: {  	[sflag:s23] =	ssyncadd.s32 s8;
	_ =	sdelay $0x1  }
0xa9: {  	s24 =	simm.s32 $0x1B8B  }
0xaa: {  	_ =	swait.ge [sflag:s24], $0x1  }
0xab: {  	[sflag:s24] =	ssyncset.done $0x0  }
0xac: {  	s25 =	simm.s32 $0x1B8E;
	[sflag:s24] =	ssyncadd.s32 $0xFFFFFFFF  }
0xad: {  	s26 =	simm.s32 $execute0_lowered;
	[smem:$0x3FD2] =	sst s25  }
0xae: {  	s8 =	sshll.u32 s26, $0x1;
	_ =	strace $0x80000046;
	[dreg:$0x1] =	wrdreg $0xFFFFFFFF  }
0xaf: {  	s28 =	simm.s32 $_size_execute0_lowered;
	s7 =	sadd.s32 s7, s8;
	[dreg:$0x0] =	wrdreg $0x0  }
0xb0: {  	s8 =	sshll.u32 s28, $0x1;
	[dreg:$0x2] =	wrdreg s7  }
0xb1: {  	[dreg:$0x3] =	wrdreg s8  }
0xb2: {  	[dreg:$0x4] =	wrdreg $0xC0  }
0xb3: {  	_ =	task [dreg:s11], $0x5FFFF  }
0xb4: {  	[dreg:$0x1] =	wrdreg $0xFFFFFFFF  }
0xb5: {  	[dreg:$0x0] =	wrdreg $0x60  }
0xb6: {  	[dreg:$0x2] =	wrdreg s16  }
0xb7: {  	[dreg:$0x3] =	wrdreg s4  }
0xb8: {  	[dreg:$0x4] =	wrdreg s5  }
0xb9: {  	[dreg:$0x5] =	wrdreg s17  }
0xba: {  	[dreg:$0x6] =	wrdreg s18  }
0xbb: {  	[dreg:$0x7] =	wrdreg $0x9  }
0xbc: {  	_ =	task.clear_ibuf [dreg:s11], $0x8FFFF;
	_ =	strace $0x90000046  }
0xbd: {  	s29 =	simm.s32 $0x9;
	_ =	strace $0x80000048  }
0xbe: {  	_ =	swait.ge [sflag:s29], $0x1  }
0xbf: {  	[sflag:s29] =	ssyncadd.s32 $0xFFFFFFFF  }
0xc0: {  	_ =	strace $0x90000048  }
0xc1: {  	_ =	sfence  }
0xc2: {  	s30 =	sld [smem:$0x0];
	_ =	sdelay $0x2  }
0xc3: {  	s31 =	sshll.u32 s1, $0xD;
	s1 =	sshrl.u32 s1, $0x2  }
0xc4: {  	s3 =	sand.u32 $0x4000, s31;
	s1 =	sadd.s32 s1, s30  }
0xc5: {  	s0 =	sor.u32 s3, s0;
	s1 =	sshll.u32 s1, $0x11  }
0xc6: {  	s0 =	sor.u32 s1, s0  }
0xc7: {  	s0 =	sadd.s32 $0x8F2B, s0  }
0xc8: {  	[sflag:s0] =	ssyncadd.remote.s32 $0x1  }
0xc9: {  	_ =	sfence.sel $0xFFFF  }
0xca: {  	[dreg:$0x0] =	wrdreg $0xFFFFFFFF;
	(pc) =	sbr.abs _section_cstart, $3  }
0xcb: {  	[dreg:$0x1] =	wrdreg $0xFFFFFFFF  }
0xcc: {  	_ =	task.clear_ibuf [dreg:s11], $0x2FFFF;
	_ =	strace $0x9FFFFFFF  }
0xcd: {  	(tm) =	ssettm $0x7FFFFFFF  }
tec
execute0_lowered:
.L_overlay_start_1:
0x0: {  	(tag) =	ssettag $0x1  }
0x1: {  	s5 =	rddreg [dreg:$0x0]  }
0x2: {  	s1 =	rddreg [dreg:$0x1]  }
0x3: {  	s2 =	rddreg [dreg:$0x2];
	s3 =	srdreg.scid  }
0x4: {  	s19 =	rddreg [dreg:$0x3];
	s0 =	stileid.u32;
	s30 =	sand.u32 $0x1, s3  }
0x5: {  	s28 =	rddreg [dreg:$0x4];
	s6 =	sshll.u32 s0, $0xA;
	s7 =	sshll.u32 s30, $0x9  }
0x6: {  	s4 =	simm.s32 $0x0;
	s3 =	rddreg [dreg:$0x5];
	s20 =	sor.u32 s7, s6  }
0x7: {  	[smem:$0x7FF] =	sst s4;
	s29 =	sshrl.u32 s20, $0x3  }
0x8: {  	_ =	strace $0x80000047;
	s6 =	simm.s32 $0x1;
	s5 =	sadd.s32 s5, s29  }
0x9: {  	[tilespmem:s4], [sflag:$0x1] =	stream.linear.gather [hbm4b:s5+s4], $0x200, $0x38;
	[tilespmem:$0x10400] =	vst v63  }
0xa: {  	_ =	swait.ge [sflag:s6], $0x200  }
0xb: {  	[sflag:s6] =	ssyncset.done $0x0  }
0xc: {  	s8 =	simm.s32 $0x200;
	s7 =	simm.s32 $0x80;
	[sflag:s6] =	ssyncadd.s32 $0xFFFFFE00  }
0xd: {  	[tilespmem:s8], [sflag:$0x4] =	stream.indirect.gather [hbm4b:s1+s7], $0x80, s4, s7, $0xb8;
	[tilespmem:$0x10400] =	vst v63  }
0xe: {  	s9 =	simm.s32 $0x10200  }
0xf: {  	[tilespmem:s9], [sflag:$0x2] =	stream.indirect.gather [hbm4b:s2+s7], $0x1, s4, s7, $0xb8;
	[tilespmem:$0x10400] =	vst v63  }
0x10: {  	s10 =	simm.s32 $0x4200  }
0x11: {  	[tilespmem:s10], [sflag:$0x5] =	stream.indirect.gather [hbm4b:s1+s7], $0x80, s7, s7, $0xb8;
	[tilespmem:$0x10400] =	vst v63  }
0x12: {  	s11 =	simm.s32 $0x10280  }
0x13: {  	[tilespmem:s11], [sflag:$0x2] =	stream.indirect.gather [hbm4b:s2+s7], $0x1, s7, s7, $0xb8;
	[tilespmem:$0x10400] =	vst v63  }
0x14: {  	s12 =	simm.s32 $0x100;
	s13 =	simm.s32 $0x8200  }
0x15: {  	[tilespmem:s13], [sflag:$0x6] =	stream.indirect.gather [hbm4b:s1+s7], $0x80, s12, s7, $0xb8;
	[tilespmem:$0x10400] =	vst v63  }
0x16: {  	s14 =	simm.s32 $0x10300  }
0x17: {  	[tilespmem:s14], [sflag:$0x2] =	stream.indirect.gather [hbm4b:s2+s7], $0x1, s12, s7, $0xb8;
	[tilespmem:$0x10400] =	vst v63  }
0x18: {  	s15 =	simm.s32 $0x180;
	s16 =	simm.s32 $0xC200  }
0x19: {  	[tilespmem:s16], [sflag:$0x7] =	stream.indirect.gather [hbm4b:s1+s7], $0x80, s15, s7, $0xb8;
	[tilespmem:$0x10400] =	vst v63  }
0x1a: {  	s17 =	simm.s32 $0x10380;
	s18 =	simm.s32 $0x4  }
0x1b: {  	[tilespmem:s17], [sflag:$0x2] =	stream.indirect.gather [hbm4b:s2+s7], $0x1, s15, s7, $0xb8;
	[tilespmem:$0x10400] =	vst v63  }
0x1c: {  	_ =	swait.ge [sflag:s18], $0x4000  }
0x1d: {  	s20 =	sshll.u32 s20, $0x4;
	[sflag:s18] =	ssyncset.done $0x0  }
0x1e: {  	s19 =	sadd.s32 s19, s20;
	s20 =	simm.s32 $0x5;
	[sflag:s18] =	ssyncadd.s32 $0xFFFFC000  }
0x1f: {  	[hbm4b:s19+s4] =	stream.linear.scatter [tilespmem:s8], [sflag:$0x3], $0x4000, $0x38;
	[tilespmem:$0x10400] =	vst v63  }
0x20: {  	_ =	swait.ge [sflag:s20], $0x4000  }
0x21: {  	[sflag:s20] =	ssyncset.done $0x0  }
0x22: {  	s22 =	simm.s32 $0x6;
	s21 =	sadd.s32 $0x800, s19;
	[sflag:s20] =	ssyncadd.s32 $0xFFFFC000  }
0x23: {  	[hbm4b:s21+s4] =	stream.linear.scatter [tilespmem:s10], [sflag:$0x3], $0x4000, $0x38;
	[tilespmem:$0x10400] =	vst v63  }
0x24: {  	_ =	swait.ge [sflag:s22], $0x4000  }
0x25: {  	[sflag:s22] =	ssyncset.done $0x0  }
0x26: {  	s24 =	simm.s32 $0x7;
	s23 =	sadd.s32 $0x1000, s19;
	[sflag:s22] =	ssyncadd.s32 $0xFFFFC000  }
0x27: {  	[hbm4b:s23+s4] =	stream.linear.scatter [tilespmem:s13], [sflag:$0x3], $0x4000, $0x38;
	[tilespmem:$0x10400] =	vst v63  }
0x28: {  	_ =	swait.ge [sflag:s24], $0x4000  }
0x29: {  	[sflag:s24] =	ssyncset.done $0x0  }
0x2a: {  	s26 =	simm.s32 $0x2;
	s25 =	sadd.s32 $0x1800, s19;
	[sflag:s24] =	ssyncadd.s32 $0xFFFFC000  }
0x2b: {  	[hbm4b:s25+s4] =	stream.linear.scatter [tilespmem:s16], [sflag:$0x3], $0x4000, $0x38;
	[tilespmem:$0x10400] =	vst v63  }
0x2c: {  	_ =	swait.ge [sflag:s26], $0x80  }
0x2d: {  	[sflag:s26] =	ssyncset.done $0x0  }
0x2e: {  	[sflag:s26] =	ssyncadd.s32 $0xFFFFFF80  }
0x2f: {  	_ =	swait.ge [sflag:s26], $0x80  }
0x30: {  	[sflag:s26] =	ssyncset.done $0x0  }
0x31: {  	[sflag:s26] =	ssyncadd.s32 $0xFFFFFF80  }
0x32: {  	_ =	swait.ge [sflag:s26], $0x80  }
0x33: {  	[sflag:s26] =	ssyncset.done $0x0  }
0x34: {  	[sflag:s26] =	ssyncadd.s32 $0xFFFFFF80  }
0x35: {  	_ =	swait.ge [sflag:s26], $0x80  }
0x36: {  	[sflag:s26] =	ssyncset.done $0x0  }
0x37: {  	s28 =	sadd.s32 s28, s29;
	s29 =	simm.s32 $0x3;
	[sflag:s26] =	ssyncadd.s32 $0xFFFFFF80  }
0x38: {  	[hbm4b:s28+s4] =	stream.linear.scatter [tilespmem:s9], [sflag:$0x3], $0x200, $0x38;
	[tilespmem:$0x10400] =	vst v63  }
0x39: {  	_ =	swait.ge [sflag:s29], $0x4000  }
0x3a: {  	[sflag:s29] =	ssyncset.done $0x0  }
0x3b: {  	[sflag:s29] =	ssyncadd.s32 $0xFFFFC000  }
0x3c: {  	_ =	swait.ge [sflag:s29], $0x4000  }
0x3d: {  	s30 =	ssub.s32 $0x2, s30;
	[sflag:s29] =	ssyncset.done $0x0  }
0x3e: {  	s31 =	sshrl.u32 s30, $0x1;
	[sflag:s29] =	ssyncadd.s32 $0xFFFFC000  }
0x3f: {  	s30 =	ssub.s32 s30, s31;
	_ =	swait.ge [sflag:s29], $0x4000  }
0x40: {  	s30 =	smax.u32 s30, $0x1;
	[sflag:s29] =	ssyncset.done $0x0  }
0x41: {  	p0 =	sne.s32 s30, $0x1;
	[sflag:s29] =	ssyncadd.s32 $0xFFFFC000  }
.Ltmp0:
0x42: {  	_ =	swait.ge [sflag:s29], $0x4000;
	(pc) =	sbr.rel @!p0 .LBB2_2-.Ltmp0, $4  }
0x43: {  	[sflag:s29] =	ssyncset.done $0x0  }
0x44: {  	[sflag:s29] =	ssyncadd.s32 $0xFFFFC000  }
0x45: {  	_ =	swait.ge [sflag:s29], $0x200  }
0x46: {  	s30 =	sadd.s32 $0xFFFFFFFF, s30;
	[sflag:s29] =	ssyncset.done $0x0  }
.LBB2_1:
0x47: {  	p0 =	sne.s32 s30, $0x1;
	s30 =	sadd.s32 $0xFFFFFFFF, s30;
	[sflag:s29] =	ssyncadd.s32 $0xFFFFFE00  }
0x48: {  	[tilespmem:s4], [sflag:$0x1] =	stream.linear.gather [hbm4b:s5+s4], $0x200, $0x38;
	[tilespmem:$0x10400] =	vst v63  }
0x49: {  	_ =	swait.ge [sflag:s6], $0x200  }
0x4a: {  	[sflag:s6] =	ssyncset.done $0x0  }
0x4b: {  	[sflag:s6] =	ssyncadd.s32 $0xFFFFFE00  }
0x4c: {  	[tilespmem:s8], [sflag:$0x4] =	stream.indirect.gather [hbm4b:s1+s7], $0x80, s4, s7, $0xb8;
	[tilespmem:$0x10400] =	vst v63  }
0x4d: {  	_ = 	snop  }
0x4e: {  	[tilespmem:s9], [sflag:$0x2] =	stream.indirect.gather [hbm4b:s2+s7], $0x1, s4, s7, $0xb8;
	[tilespmem:$0x10400] =	vst v63  }
0x4f: {  	_ = 	snop  }
0x50: {  	[tilespmem:s10], [sflag:$0x5] =	stream.indirect.gather [hbm4b:s1+s7], $0x80, s7, s7, $0xb8;
	[tilespmem:$0x10400] =	vst v63  }
0x51: {  	_ = 	snop  }
0x52: {  	[tilespmem:s11], [sflag:$0x2] =	stream.indirect.gather [hbm4b:s2+s7], $0x1, s7, s7, $0xb8;
	[tilespmem:$0x10400] =	vst v63  }
0x53: {  	_ = 	snop  }
0x54: {  	[tilespmem:s13], [sflag:$0x6] =	stream.indirect.gather [hbm4b:s1+s7], $0x80, s12, s7, $0xb8;
	[tilespmem:$0x10400] =	vst v63  }
0x55: {  	_ = 	snop  }
0x56: {  	[tilespmem:s14], [sflag:$0x2] =	stream.indirect.gather [hbm4b:s2+s7], $0x1, s12, s7, $0xb8;
	[tilespmem:$0x10400] =	vst v63  }
0x57: {  	_ = 	snop  }
0x58: {  	[tilespmem:s16], [sflag:$0x7] =	stream.indirect.gather [hbm4b:s1+s7], $0x80, s15, s7, $0xb8;
	[tilespmem:$0x10400] =	vst v63  }
0x59: {  	_ = 	snop  }
0x5a: {  	[tilespmem:s17], [sflag:$0x2] =	stream.indirect.gather [hbm4b:s2+s7], $0x1, s15, s7, $0xb8;
	[tilespmem:$0x10400] =	vst v63  }
0x5b: {  	_ =	swait.ge [sflag:s18], $0x4000  }
0x5c: {  	[sflag:s18] =	ssyncset.done $0x0  }
0x5d: {  	[sflag:s18] =	ssyncadd.s32 $0xFFFFC000  }
0x5e: {  	[hbm4b:s19+s4] =	stream.linear.scatter [tilespmem:s8], [sflag:$0x3], $0x4000, $0x38;
	[tilespmem:$0x10400] =	vst v63  }
0x5f: {  	_ =	swait.ge [sflag:s20], $0x4000  }
0x60: {  	[sflag:s20] =	ssyncset.done $0x0  }
0x61: {  	[sflag:s20] =	ssyncadd.s32 $0xFFFFC000  }
0x62: {  	[hbm4b:s21+s4] =	stream.linear.scatter [tilespmem:s10], [sflag:$0x3], $0x4000, $0x38;
	[tilespmem:$0x10400] =	vst v63  }
0x63: {  	_ =	swait.ge [sflag:s22], $0x4000  }
0x64: {  	[sflag:s22] =	ssyncset.done $0x0  }
0x65: {  	[sflag:s22] =	ssyncadd.s32 $0xFFFFC000  }
0x66: {  	[hbm4b:s23+s4] =	stream.linear.scatter [tilespmem:s13], [sflag:$0x3], $0x4000, $0x38;
	[tilespmem:$0x10400] =	vst v63  }
0x67: {  	_ =	swait.ge [sflag:s24], $0x4000  }
0x68: {  	[sflag:s24] =	ssyncset.done $0x0  }
0x69: {  	[sflag:s24] =	ssyncadd.s32 $0xFFFFC000  }
0x6a: {  	[hbm4b:s25+s4] =	stream.linear.scatter [tilespmem:s16], [sflag:$0x3], $0x4000, $0x38;
	[tilespmem:$0x10400] =	vst v63  }
0x6b: {  	_ =	swait.ge [sflag:s26], $0x80  }
0x6c: {  	[sflag:s26] =	ssyncset.done $0x0  }
0x6d: {  	[sflag:s26] =	ssyncadd.s32 $0xFFFFFF80  }
0x6e: {  	_ =	swait.ge [sflag:s26], $0x80  }
0x6f: {  	[sflag:s26] =	ssyncset.done $0x0  }
0x70: {  	[sflag:s26] =	ssyncadd.s32 $0xFFFFFF80  }
0x71: {  	_ =	swait.ge [sflag:s26], $0x80  }
0x72: {  	[sflag:s26] =	ssyncset.done $0x0  }
0x73: {  	[sflag:s26] =	ssyncadd.s32 $0xFFFFFF80  }
0x74: {  	_ =	swait.ge [sflag:s26], $0x80  }
0x75: {  	[sflag:s26] =	ssyncset.done $0x0  }
0x76: {  	[sflag:s26] =	ssyncadd.s32 $0xFFFFFF80  }
0x77: {  	[hbm4b:s28+s4] =	stream.linear.scatter [tilespmem:s9], [sflag:$0x3], $0x200, $0x38;
	[tilespmem:$0x10400] =	vst v63  }
0x78: {  	_ =	swait.ge [sflag:s29], $0x4000  }
0x79: {  	[sflag:s29] =	ssyncset.done $0x0  }
0x7a: {  	[sflag:s29] =	ssyncadd.s32 $0xFFFFC000  }
0x7b: {  	_ =	swait.ge [sflag:s29], $0x4000  }
0x7c: {  	[sflag:s29] =	ssyncset.done $0x0  }
0x7d: {  	[sflag:s29] =	ssyncadd.s32 $0xFFFFC000  }
0x7e: {  	_ =	swait.ge [sflag:s29], $0x4000  }
0x7f: {  	[sflag:s29] =	ssyncset.done $0x0  }
0x80: {  	[sflag:s29] =	ssyncadd.s32 $0xFFFFC000  }
.Ltmp1:
0x81: {  	_ =	swait.ge [sflag:s29], $0x4000;
	(pc) =	sbr.rel @p0 .LBB2_1-.Ltmp1, $4  }
0x82: {  	[sflag:s29] =	ssyncset.done $0x0  }
0x83: {  	[sflag:s29] =	ssyncadd.s32 $0xFFFFC000  }
0x84: {  	_ =	swait.ge [sflag:s29], $0x200  }
0x85: {  	[sflag:s29] =	ssyncset.done $0x0  }
.LBB2_2:
0x86: {  	[sflag:s29] =	ssyncadd.s32 $0xFFFFFE00  }
0x87: {  	_ =	sfence.sel $0x180000  }
0x88: {  	[bflag:$0x0] =	sbarrier.arrive $0xFFFF  }
0x89: {  	p0 =	sne.s32 s0, $0x0;
	_ =	strace $0x90000047  }
0x8a: {  	s0 =	sadd.s32 @!p0 $0x100000, s3;
	[bflag:$0x2] =	sbarrier.arrive $0xFFFF  }
0x8b: {  	[sflag:s0] =	ssyncadd.tile.s32 @!p0 $0x1;
	_ =	shalt  }
.Lfunc_end2:
_tile_overlayer_lowered:
.L_overlay_start_2:
0x8c: {  	(tag) =	ssettag $0x2  }
0x8d: {  	s0 =	rddreg [dreg:$0x0];
	s2 =	stileid.u32  }
0x8e: {  	s1 =	rddreg [dreg:$0x1];
	p0 =	sne.s32 s2, $0x0  }
0x8f: {  	s3 =	rddreg [dreg:$0x2];
	[bflag:$0x3] =	sbarrier.arrive $0xFFFF;
	s2 =	simm.s32 @!p0 $0x1C08  }
0x90: {  	[timem:s3], [sflag:s2] =	dma.local @!p0 [hbm:s0], s1  }
0x91: {  	s0 =	simm.s32 @!p0 $0x8  }
0x92: {  	_ =	swait.ge @!p0 [sflag:s0], s1  }
0x93: {  	s1 =	ssub.s32 @!p0 $0x0, s1;
	[sflag:s0] =	ssyncset.done @!p0 $0x0  }
0x94: {  	[sflag:s0] =	ssyncadd.s32 @!p0 s1  }
0x95: {  	[bflag:$0x3] =	sbarrier.arrive $0xFFFF  }
0x96: {  	_ =	shalt  }

</sc_bundles>
